<compile_context>
chip_gen: v7x
topology: tpu7x:2x2x1
jax: 0.10.2.dev20260603
libtpu: 0.0.44.dev20260713+nightly
codegen_flags: <defaults>
</compile_context>

<pallas_src>
import functools

import jax
import jax.numpy as jnp
from jax import lax
from jax.experimental import pallas as pl
from jax.experimental.pallas import tpu as pltpu
from jax.experimental.pallas import tpu_sc as plsc
from jax.experimental import layout as jlayout

BATCH = 16384
FIELDS = 26
NUM_CORES = 2
NUM_SUBCORES = 16
LANES = 16
NW = NUM_CORES * NUM_SUBCORES
ROWS_W = BATCH // NW
ELEMS_W = ROWS_W * FIELDS
ROW_CHUNKS = ROWS_W // LANES


def _lr_body(idx_hbm, val_hbm, table_hbm, bias_hbm, out_hbm,
             idx_v, w_v, val_v, bias_v, y_v, sem, sem2):
    wid = lax.axis_index("s") * NUM_CORES + lax.axis_index("c")

    pltpu.sync_copy(idx_hbm.at[wid], idx_v)

    gather = pltpu.async_copy(table_hbm.at[0].at[idx_v], w_v, sem)
    val_cp = pltpu.async_copy(val_hbm.at[wid], val_v, sem2)
    pltpu.sync_copy(bias_hbm, bias_v)
    val_cp.wait()
    gather.wait()

    bias16 = bias_v[...]

    def red_body(c, carry):
        acc = jnp.zeros((LANES,), jnp.float32)
        for f in range(FIELDS):
            off = f * ROWS_W + c * LANES
            acc = acc + w_v[pl.ds(off, LANES)] * val_v[pl.ds(off, LANES)]
        y = 1.0 / (1.0 + jnp.exp(-(acc + bias16)))
        y_v[pl.ds(c * LANES, LANES)] = y
        return carry

    lax.fori_loop(0, ROW_CHUNKS, red_body, 0)

    pltpu.sync_copy(y_v, out_hbm.at[pl.ds(wid * ROWS_W, ROWS_W)])


@functools.partial(jax.jit, static_argnames=())
def kernel(feat_index, feat_value, weights, bias):
    idx = feat_index.astype(jnp.int32).reshape(NW, ROWS_W, FIELDS)
    idx = jnp.swapaxes(idx, 1, 2).reshape(NW, ELEMS_W)
    val = feat_value.reshape(NW, ROWS_W, FIELDS)
    val = jnp.swapaxes(val, 1, 2).reshape(NW, ELEMS_W)
    table = jlayout.with_layout_constraint(
        weights.reshape(1, -1),
        jlayout.Layout((1, 0), tiling=((1, 128),)),
    )
    bias16 = jnp.broadcast_to(bias.astype(jnp.float32), (LANES,))

    run = pl.kernel(
        _lr_body,
        out_type=jax.ShapeDtypeStruct((BATCH,), jnp.float32),
        mesh=plsc.VectorSubcoreMesh(core_axis_name="c", subcore_axis_name="s"),
        scratch_types=[
            pltpu.VMEM((ELEMS_W,), jnp.int32),
            pltpu.VMEM((ELEMS_W,), jnp.float32),
            pltpu.VMEM((ELEMS_W,), jnp.float32),
            pltpu.VMEM((LANES,), jnp.float32),
            pltpu.VMEM((ROWS_W,), jnp.float32),
            pltpu.SemaphoreType.DMA,
            pltpu.SemaphoreType.DMA,
        ],
    )
    return run(idx, val, table, bias16)

# --- scband reference (transcript-rebuilt; emitter-appended) ---
"""Pipeline reference for scband-lr-45174466019793 (READ-ONLY COPY).

The authoritative reference and input builder live on the scoring server;
editing this copy changes nothing except your own understanding.
"""

import jax, jax.numpy as jnp
import numpy as np

BATCH = 16384
FIELDS = 26
FEAT_DIM = 1000000

def setup_inputs(seed: int = 0) -> dict:
    key = jax.random.key(seed)
    k1, k2, k3, k4 = jax.random.split(key, 4)
    feat_index = jax.random.randint(k1, (BATCH, FIELDS), 0, FEAT_DIM, dtype=jnp.int64) if jax.config.jax_enable_x64 else jax.random.randint(k1, (BATCH, FIELDS), 0, FEAT_DIM, dtype=jnp.int32)
    feat_value = jax.random.uniform(k2, (BATCH, FIELDS), dtype=jnp.float32)
    # learned parameters: nn.Embedding(feat_dim, 1) weight table and scalar bias
    weights = jax.random.normal(k3, (FEAT_DIM, 1), dtype=jnp.float32) * 0.01
    bias = jax.random.normal(k4, (1,), dtype=jnp.float32)
    return {"feat_index": feat_index, "feat_value": feat_value, "weights": weights, "bias": bias}

def reference(feat_index, feat_value, weights, bias):
    # weights(feat_index): embedding gather -> [B, F, 1]
    w = jnp.take(weights, feat_index, axis=0)
    # feat_value unsqueeze dim=2 -> [B, F, 1]
    fv = feat_value[:, :, None]
    first_order = fv * w
    first_order = jnp.squeeze(first_order, axis=2)  # [B, F]
    y = jnp.sum(first_order, axis=1)  # [B]
    y = y + bias  # broadcast scalar bias
    # OutputLayer(1, 'binary') -> sigmoid activation
    y = jax.nn.sigmoid(y)
    return y

if __name__ == "__main__":
    import jax
    _d = setup_inputs()
    print(jax.jit(kernel)(*tuple(_d.values())))

</pallas_src>

<mosaic_0001>
#map = affine_map<(d0, d1) -> (0, 0)>
#map1 = affine_map<(d0, d1) -> (0)>
module attributes {stable_mosaic.version = 14 : i64} {
  func.func @_lr_body(%arg0: i32, %arg1: i32, %arg2: memref<32x13312xi32, #tpu.memory_space<hbm>>, %arg3: memref<32x13312xf32, #tpu.memory_space<hbm>>, %arg4: memref<1x1000000xf32, #tpu.memory_space<hbm>>, %arg5: memref<16xf32, #tpu.memory_space<hbm>>, %arg6: memref<16384xf32, #tpu.memory_space<hbm>>, %arg7: memref<13312xi32, #tpu.memory_space<vmem>>, %arg8: memref<13312xf32, #tpu.memory_space<vmem>>, %arg9: memref<13312xf32, #tpu.memory_space<vmem>>, %arg10: memref<16xf32, #tpu.memory_space<vmem>>, %arg11: memref<512xf32, #tpu.memory_space<vmem>>, %arg12: memref<!tpu.dma_semaphore, #tpu.memory_space<semaphore_mem>>, %arg13: memref<!tpu.dma_semaphore, #tpu.memory_space<semaphore_mem>>) attributes {dimension_semantics = [#tpu.dimension_semantics<core_parallel>, #tpu.dimension_semantics<subcore_parallel>], iteration_bounds = array<i64: 2, 16>, scalar_prefetch = 0 : i64, scratch_operands = 7 : i64, tpu.core_type = #tpu.core_type<sc_vector_subcore>, window_params = [{transform_indices = #map}, {transform_indices = #map}, {transform_indices = #map}, {transform_indices = #map1}, {transform_indices = #map1}]} {
    %mul3A = arith.constant 2 : i32
    %mul3A_0 = arith.muli %arg1, %mul3A : i32
    %add3A = arith.addi %mul3A_0, %arg0 : i32
    "tpu.region"() ({
      %run_scoped3A = tpu.sem_alloc : memref<!tpu.dma_semaphore, #tpu.memory_space<semaphore_mem>>
      %dma_start3A_32 = arith.constant 0 : i32
      %dma_start3A_33 = tpu.memref_slice %arg2[%add3A, %dma_start3A_32] : memref<32x13312xi32, #tpu.memory_space<hbm>> -> memref<1x13312xi32, #tpu.memory_space<hbm>>
      %dma_start3A_34 = tpu.memref_squeeze %dma_start3A_33 : memref<1x13312xi32, #tpu.memory_space<hbm>> -> memref<13312xi32, #tpu.memory_space<hbm>>
      %dma_start3A_35 = arith.constant 0 : i32
      %dma_start3A_36 = tpu.memref_slice %arg2[%add3A, %dma_start3A_35] : memref<32x13312xi32, #tpu.memory_space<hbm>> -> memref<1x13312xi32, #tpu.memory_space<hbm>>
      %dma_start3A_37 = tpu.memref_squeeze %dma_start3A_36 : memref<1x13312xi32, #tpu.memory_space<hbm>> -> memref<13312xi32, #tpu.memory_space<hbm>>
      tpu.enqueue_dma source(%dma_start3A_37 : memref<13312xi32, #tpu.memory_space<hbm>>) target(%arg7 : memref<13312xi32, #tpu.memory_space<vmem>>) target_semaphore(%run_scoped3A : memref<!tpu.dma_semaphore, #tpu.memory_space<semaphore_mem>>)
      %dma_wait3A_38 = arith.constant 0 : i32
      %dma_wait3A_39 = tpu.memref_slice %arg2[%add3A, %dma_wait3A_38] : memref<32x13312xi32, #tpu.memory_space<hbm>> -> memref<1x13312xi32, #tpu.memory_space<hbm>>
      %dma_wait3A_40 = tpu.memref_squeeze %dma_wait3A_39 : memref<1x13312xi32, #tpu.memory_space<hbm>> -> memref<13312xi32, #tpu.memory_space<hbm>>
      %dma_wait3A_41 = arith.constant 0 : i32
      %dma_wait3A_42 = tpu.memref_slice %arg2[%add3A, %dma_wait3A_41] : memref<32x13312xi32, #tpu.memory_space<hbm>> -> memref<1x13312xi32, #tpu.memory_space<hbm>>
      %dma_wait3A_43 = tpu.memref_squeeze %dma_wait3A_42 : memref<1x13312xi32, #tpu.memory_space<hbm>> -> memref<13312xi32, #tpu.memory_space<hbm>>
      tpu.wait_dma2 semaphore(%run_scoped3A : memref<!tpu.dma_semaphore, #tpu.memory_space<semaphore_mem>>) src(%dma_wait3A_43 : memref<13312xi32, #tpu.memory_space<hbm>>) dst(%arg7 : memref<13312xi32, #tpu.memory_space<vmem>>)
      tpu.yield
    }) : () -> ()
    %dma_start3A = arith.constant 0 : i32
    %dma_start3A_1 = arith.constant 0 : i32
    %dma_start3A_2 = tpu.memref_slice %arg4[%dma_start3A, %dma_start3A_1] : memref<1x1000000xf32, #tpu.memory_space<hbm>> -> memref<1x1000000xf32, #tpu.memory_space<hbm>>
    %dma_start3A_3 = tpu.memref_squeeze %dma_start3A_2 : memref<1x1000000xf32, #tpu.memory_space<hbm>> -> memref<1000000xf32, #tpu.memory_space<hbm>>
    %dma_start3A_4 = arith.constant 0 : i32
    %dma_start3A_5 = tpu.memref_slice %dma_start3A_3[%dma_start3A_4] : memref<1000000xf32, #tpu.memory_space<hbm>> -> memref<1000000xf32, #tpu.memory_space<hbm>>
    tpu.enqueue_indirect_dma source(%dma_start3A_5 : memref<1000000xf32, #tpu.memory_space<hbm>>) target(%arg8 : memref<13312xf32, #tpu.memory_space<vmem>>) offsets(%arg7 : memref<13312xi32, #tpu.memory_space<vmem>>) semaphore(%arg12 : memref<!tpu.dma_semaphore, #tpu.memory_space<semaphore_mem>>)
    %dma_start3A_6 = arith.constant 0 : i32
    %dma_start3A_7 = tpu.memref_slice %arg3[%add3A, %dma_start3A_6] : memref<32x13312xf32, #tpu.memory_space<hbm>> -> memref<1x13312xf32, #tpu.memory_space<hbm>>
    %dma_start3A_8 = tpu.memref_squeeze %dma_start3A_7 : memref<1x13312xf32, #tpu.memory_space<hbm>> -> memref<13312xf32, #tpu.memory_space<hbm>>
    %dma_start3A_9 = arith.constant 0 : i32
    %dma_start3A_10 = tpu.memref_slice %arg3[%add3A, %dma_start3A_9] : memref<32x13312xf32, #tpu.memory_space<hbm>> -> memref<1x13312xf32, #tpu.memory_space<hbm>>
    %dma_start3A_11 = tpu.memref_squeeze %dma_start3A_10 : memref<1x13312xf32, #tpu.memory_space<hbm>> -> memref<13312xf32, #tpu.memory_space<hbm>>
    tpu.enqueue_dma source(%dma_start3A_11 : memref<13312xf32, #tpu.memory_space<hbm>>) target(%arg9 : memref<13312xf32, #tpu.memory_space<vmem>>) target_semaphore(%arg13 : memref<!tpu.dma_semaphore, #tpu.memory_space<semaphore_mem>>)
    "tpu.region"() ({
      %run_scoped3A = tpu.sem_alloc : memref<!tpu.dma_semaphore, #tpu.memory_space<semaphore_mem>>
      tpu.enqueue_dma source(%arg5 : memref<16xf32, #tpu.memory_space<hbm>>) target(%arg10 : memref<16xf32, #tpu.memory_space<vmem>>) target_semaphore(%run_scoped3A : memref<!tpu.dma_semaphore, #tpu.memory_space<semaphore_mem>>)
      tpu.wait_dma2 semaphore(%run_scoped3A : memref<!tpu.dma_semaphore, #tpu.memory_space<semaphore_mem>>) src(%arg5 : memref<16xf32, #tpu.memory_space<hbm>>) dst(%arg10 : memref<16xf32, #tpu.memory_space<vmem>>)
      tpu.yield
    }) : () -> ()
    %dma_wait3A = arith.constant 0 : i32
    %dma_wait3A_12 = tpu.memref_slice %arg3[%add3A, %dma_wait3A] : memref<32x13312xf32, #tpu.memory_space<hbm>> -> memref<1x13312xf32, #tpu.memory_space<hbm>>
    %dma_wait3A_13 = tpu.memref_squeeze %dma_wait3A_12 : memref<1x13312xf32, #tpu.memory_space<hbm>> -> memref<13312xf32, #tpu.memory_space<hbm>>
    %dma_wait3A_14 = arith.constant 0 : i32
    %dma_wait3A_15 = tpu.memref_slice %arg3[%add3A, %dma_wait3A_14] : memref<32x13312xf32, #tpu.memory_space<hbm>> -> memref<1x13312xf32, #tpu.memory_space<hbm>>
    %dma_wait3A_16 = tpu.memref_squeeze %dma_wait3A_15 : memref<1x13312xf32, #tpu.memory_space<hbm>> -> memref<13312xf32, #tpu.memory_space<hbm>>
    tpu.wait_dma2 semaphore(%arg13 : memref<!tpu.dma_semaphore, #tpu.memory_space<semaphore_mem>>) src(%dma_wait3A_16 : memref<13312xf32, #tpu.memory_space<hbm>>) dst(%arg9 : memref<13312xf32, #tpu.memory_space<vmem>>)
    %dma_wait3A_17 = arith.constant 0 : i32
    %dma_wait3A_18 = arith.constant 0 : i32
    %dma_wait3A_19 = tpu.memref_slice %arg4[%dma_wait3A_17, %dma_wait3A_18] : memref<1x1000000xf32, #tpu.memory_space<hbm>> -> memref<1x1000000xf32, #tpu.memory_space<hbm>>
    %dma_wait3A_20 = tpu.memref_squeeze %dma_wait3A_19 : memref<1x1000000xf32, #tpu.memory_space<hbm>> -> memref<1000000xf32, #tpu.memory_space<hbm>>
    %dma_wait3A_21 = arith.constant 0 : i32
    %dma_wait3A_22 = tpu.memref_slice %dma_wait3A_20[%dma_wait3A_21] : memref<1000000xf32, #tpu.memory_space<hbm>> -> memref<1000000xf32, #tpu.memory_space<hbm>>
    tpu.wait_indirect_dma semaphore(%arg12 : memref<!tpu.dma_semaphore, #tpu.memory_space<semaphore_mem>>) src(%dma_wait3A_22 : memref<1000000xf32, #tpu.memory_space<hbm>>) dst(%arg8 : memref<13312xf32, #tpu.memory_space<vmem>>)
    %get3A = arith.constant 0 : index
    %get3A_23 = tpu.vector_load %arg10[%get3A] {strides = array<i32>} : memref<16xf32, #tpu.memory_space<vmem>>, vector<16xf32>,
    %get3A_24 = vector.shape_cast %get3A_23 : vector<16xf32> to vector<16xf32>
    %scan3A = arith.constant 0 : i32
    %scan3A_25 = arith.constant 0 : i32
    %scan3A_26 = arith.constant 32 : i32
    %scan3A_27 = arith.addi %scan3A_25, %scan3A_26 : i32
    %scan3A_28 = arith.constant 1 : i32
    scf.for %scan3A_32 = %scan3A_25 to %scan3A_27 step %scan3A_28  : i32 {
      %broadcast_in_dim3A = arith.constant 0.000000e+00 : f32
      %broadcast_in_dim3A_33 = vector.broadcast %broadcast_in_dim3A : f32 to vector<16xf32>
      %mul3A_34 = arith.constant 16 : i32
      %mul3A_35 = arith.muli %scan3A_32, %mul3A_34 : i32
      %add3A_36 = arith.constant 0 : i32
      %add3A_37 = arith.addi %add3A_36, %mul3A_35 : i32
      %get3A_38 = arith.index_cast %add3A_37 : i32 to index
      %get3A_39 = tpu.vector_load %arg8[%get3A_38] {strides = array<i32>} : memref<13312xf32, #tpu.memory_space<vmem>>, vector<16xf32>,
      %get3A_40 = vector.shape_cast %get3A_39 : vector<16xf32> to vector<16xf32>
      %get3A_41 = arith.index_cast %add3A_37 : i32 to index
      %get3A_42 = tpu.vector_load %arg9[%get3A_41] {strides = array<i32>} : memref<13312xf32, #tpu.memory_space<vmem>>, vector<16xf32>,
      %get3A_43 = vector.shape_cast %get3A_42 : vector<16xf32> to vector<16xf32>
      %mul3A_44 = arith.mulf %get3A_40, %get3A_43 : vector<16xf32>
      %add3A_45 = arith.addf %broadcast_in_dim3A_33, %mul3A_44 : vector<16xf32>
      %mul3A_46 = arith.constant 16 : i32
      %mul3A_47 = arith.muli %scan3A_32, %mul3A_46 : i32
      %add3A_48 = arith.constant 512 : i32
      %add3A_49 = arith.addi %add3A_48, %mul3A_47 : i32
      %get3A_50 = arith.index_cast %add3A_49 : i32 to index
      %get3A_51 = tpu.vector_load %arg8[%get3A_50] {strides = array<i32>} : memref<13312xf32, #tpu.memory_space<vmem>>, vector<16xf32>,
      %get3A_52 = vector.shape_cast %get3A_51 : vector<16xf32> to vector<16xf32>
      %get3A_53 = arith.index_cast %add3A_49 : i32 to index
      %get3A_54 = tpu.vector_load %arg9[%get3A_53] {strides = array<i32>} : memref<13312xf32, #tpu.memory_space<vmem>>, vector<16xf32>,
      %get3A_55 = vector.shape_cast %get3A_54 : vector<16xf32> to vector<16xf32>
      %mul3A_56 = arith.mulf %get3A_52, %get3A_55 : vector<16xf32>
      %add3A_57 = arith.addf %add3A_45, %mul3A_56 : vector<16xf32>
      %mul3A_58 = arith.constant 16 : i32
      %mul3A_59 = arith.muli %scan3A_32, %mul3A_58 : i32
      %add3A_60 = arith.constant 1024 : i32
      %add3A_61 = arith.addi %add3A_60, %mul3A_59 : i32
      %get3A_62 = arith.index_cast %add3A_61 : i32 to index
      %get3A_63 = tpu.vector_load %arg8[%get3A_62] {strides = array<i32>} : memref<13312xf32, #tpu.memory_space<vmem>>, vector<16xf32>,
      %get3A_64 = vector.shape_cast %get3A_63 : vector<16xf32> to vector<16xf32>
      %get3A_65 = arith.index_cast %add3A_61 : i32 to index
      %get3A_66 = tpu.vector_load %arg9[%get3A_65] {strides = array<i32>} : memref<13312xf32, #tpu.memory_space<vmem>>, vector<16xf32>,
      %get3A_67 = vector.shape_cast %get3A_66 : vector<16xf32> to vector<16xf32>
      %mul3A_68 = arith.mulf %get3A_64, %get3A_67 : vector<16xf32>
      %add3A_69 = arith.addf %add3A_57, %mul3A_68 : vector<16xf32>
      %mul3A_70 = arith.constant 16 : i32
      %mul3A_71 = arith.muli %scan3A_32, %mul3A_70 : i32
      %add3A_72 = arith.constant 1536 : i32
      %add3A_73 = arith.addi %add3A_72, %mul3A_71 : i32
      %get3A_74 = arith.index_cast %add3A_73 : i32 to index
      %get3A_75 = tpu.vector_load %arg8[%get3A_74] {strides = array<i32>} : memref<13312xf32, #tpu.memory_space<vmem>>, vector<16xf32>,
      %get3A_76 = vector.shape_cast %get3A_75 : vector<16xf32> to vector<16xf32>
      %get3A_77 = arith.index_cast %add3A_73 : i32 to index
      %get3A_78 = tpu.vector_load %arg9[%get3A_77] {strides = array<i32>} : memref<13312xf32, #tpu.memory_space<vmem>>, vector<16xf32>,
      %get3A_79 = vector.shape_cast %get3A_78 : vector<16xf32> to vector<16xf32>
      %mul3A_80 = arith.mulf %get3A_76, %get3A_79 : vector<16xf32>
      %add3A_81 = arith.addf %add3A_69, %mul3A_80 : vector<16xf32>
      %mul3A_82 = arith.constant 16 : i32
      %mul3A_83 = arith.muli %scan3A_32, %mul3A_82 : i32
      %add3A_84 = arith.constant 2048 : i32
      %add3A_85 = arith.addi %add3A_84, %mul3A_83 : i32
      %get3A_86 = arith.index_cast %add3A_85 : i32 to index
      %get3A_87 = tpu.vector_load %arg8[%get3A_86] {strides = array<i32>} : memref<13312xf32, #tpu.memory_space<vmem>>, vector<16xf32>,
      %get3A_88 = vector.shape_cast %get3A_87 : vector<16xf32> to vector<16xf32>
      %get3A_89 = arith.index_cast %add3A_85 : i32 to index
      %get3A_90 = tpu.vector_load %arg9[%get3A_89] {strides = array<i32>} : memref<13312xf32, #tpu.memory_space<vmem>>, vector<16xf32>,
      %get3A_91 = vector.shape_cast %get3A_90 : vector<16xf32> to vector<16xf32>
      %mul3A_92 = arith.mulf %get3A_88, %get3A_91 : vector<16xf32>
      %add3A_93 = arith.addf %add3A_81, %mul3A_92 : vector<16xf32>
      %mul3A_94 = arith.constant 16 : i32
      %mul3A_95 = arith.muli %scan3A_32, %mul3A_94 : i32
      %add3A_96 = arith.constant 2560 : i32
      %add3A_97 = arith.addi %add3A_96, %mul3A_95 : i32
      %get3A_98 = arith.index_cast %add3A_97 : i32 to index
      %get3A_99 = tpu.vector_load %arg8[%get3A_98] {strides = array<i32>} : memref<13312xf32, #tpu.memory_space<vmem>>, vector<16xf32>,
      %get3A_100 = vector.shape_cast %get3A_99 : vector<16xf32> to vector<16xf32>
      %get3A_101 = arith.index_cast %add3A_97 : i32 to index
      %get3A_102 = tpu.vector_load %arg9[%get3A_101] {strides = array<i32>} : memref<13312xf32, #tpu.memory_space<vmem>>, vector<16xf32>,
      %get3A_103 = vector.shape_cast %get3A_102 : vector<16xf32> to vector<16xf32>
      %mul3A_104 = arith.mulf %get3A_100, %get3A_103 : vector<16xf32>
      %add3A_105 = arith.addf %add3A_93, %mul3A_104 : vector<16xf32>
      %mul3A_106 = arith.constant 16 : i32
      %mul3A_107 = arith.muli %scan3A_32, %mul3A_106 : i32
      %add3A_108 = arith.constant 3072 : i32
      %add3A_109 = arith.addi %add3A_108, %mul3A_107 : i32
      %get3A_110 = arith.index_cast %add3A_109 : i32 to index
      %get3A_111 = tpu.vector_load %arg8[%get3A_110] {strides = array<i32>} : memref<13312xf32, #tpu.memory_space<vmem>>, vector<16xf32>,
      %get3A_112 = vector.shape_cast %get3A_111 : vector<16xf32> to vector<16xf32>
      %get3A_113 = arith.index_cast %add3A_109 : i32 to index
      %get3A_114 = tpu.vector_load %arg9[%get3A_113] {strides = array<i32>} : memref<13312xf32, #tpu.memory_space<vmem>>, vector<16xf32>,
      %get3A_115 = vector.shape_cast %get3A_114 : vector<16xf32> to vector<16xf32>
      %mul3A_116 = arith.mulf %get3A_112, %get3A_115 : vector<16xf32>
      %add3A_117 = arith.addf %add3A_105, %mul3A_116 : vector<16xf32>
      %mul3A_118 = arith.constant 16 : i32
      %mul3A_119 = arith.muli %scan3A_32, %mul3A_118 : i32
      %add3A_120 = arith.constant 3584 : i32
      %add3A_121 = arith.addi %add3A_120, %mul3A_119 : i32
      %get3A_122 = arith.index_cast %add3A_121 : i32 to index
      %get3A_123 = tpu.vector_load %arg8[%get3A_122] {strides = array<i32>} : memref<13312xf32, #tpu.memory_space<vmem>>, vector<16xf32>,
      %get3A_124 = vector.shape_cast %get3A_123 : vector<16xf32> to vector<16xf32>
      %get3A_125 = arith.index_cast %add3A_121 : i32 to index
      %get3A_126 = tpu.vector_load %arg9[%get3A_125] {strides = array<i32>} : memref<13312xf32, #tpu.memory_space<vmem>>, vector<16xf32>,
      %get3A_127 = vector.shape_cast %get3A_126 : vector<16xf32> to vector<16xf32>
      %mul3A_128 = arith.mulf %get3A_124, %get3A_127 : vector<16xf32>
      %add3A_129 = arith.addf %add3A_117, %mul3A_128 : vector<16xf32>
      %mul3A_130 = arith.constant 16 : i32
      %mul3A_131 = arith.muli %scan3A_32, %mul3A_130 : i32
      %add3A_132 = arith.constant 4096 : i32
      %add3A_133 = arith.addi %add3A_132, %mul3A_131 : i32
      %get3A_134 = arith.index_cast %add3A_133 : i32 to index
      %get3A_135 = tpu.vector_load %arg8[%get3A_134] {strides = array<i32>} : memref<13312xf32, #tpu.memory_space<vmem>>, vector<16xf32>,
      %get3A_136 = vector.shape_cast %get3A_135 : vector<16xf32> to vector<16xf32>
      %get3A_137 = arith.index_cast %add3A_133 : i32 to index
      %get3A_138 = tpu.vector_load %arg9[%get3A_137] {strides = array<i32>} : memref<13312xf32, #tpu.memory_space<vmem>>, vector<16xf32>,
      %get3A_139 = vector.shape_cast %get3A_138 : vector<16xf32> to vector<16xf32>
      %mul3A_140 = arith.mulf %get3A_136, %get3A_139 : vector<16xf32>
      %add3A_141 = arith.addf %add3A_129, %mul3A_140 : vector<16xf32>
      %mul3A_142 = arith.constant 16 : i32
      %mul3A_143 = arith.muli %scan3A_32, %mul3A_142 : i32
      %add3A_144 = arith.constant 4608 : i32
      %add3A_145 = arith.addi %add3A_144, %mul3A_143 : i32
      %get3A_146 = arith.index_cast %add3A_145 : i32 to index
      %get3A_147 = tpu.vector_load %arg8[%get3A_146] {strides = array<i32>} : memref<13312xf32, #tpu.memory_space<vmem>>, vector<16xf32>,
      %get3A_148 = vector.shape_cast %get3A_147 : vector<16xf32> to vector<16xf32>
      %get3A_149 = arith.index_cast %add3A_145 : i32 to index
      %get3A_150 = tpu.vector_load %arg9[%get3A_149] {strides = array<i32>} : memref<13312xf32, #tpu.memory_space<vmem>>, vector<16xf32>,
      %get3A_151 = vector.shape_cast %get3A_150 : vector<16xf32> to vector<16xf32>
      %mul3A_152 = arith.mulf %get3A_148, %get3A_151 : vector<16xf32>
      %add3A_153 = arith.addf %add3A_141, %mul3A_152 : vector<16xf32>
      %mul3A_154 = arith.constant 16 : i32
      %mul3A_155 = arith.muli %scan3A_32, %mul3A_154 : i32
      %add3A_156 = arith.constant 5120 : i32
      %add3A_157 = arith.addi %add3A_156, %mul3A_155 : i32
      %get3A_158 = arith.index_cast %add3A_157 : i32 to index
      %get3A_159 = tpu.vector_load %arg8[%get3A_158] {strides = array<i32>} : memref<13312xf32, #tpu.memory_space<vmem>>, vector<16xf32>,
      %get3A_160 = vector.shape_cast %get3A_159 : vector<16xf32> to vector<16xf32>
      %get3A_161 = arith.index_cast %add3A_157 : i32 to index
      %get3A_162 = tpu.vector_load %arg9[%get3A_161] {strides = array<i32>} : memref<13312xf32, #tpu.memory_space<vmem>>, vector<16xf32>,
      %get3A_163 = vector.shape_cast %get3A_162 : vector<16xf32> to vector<16xf32>
      %mul3A_164 = arith.mulf %get3A_160, %get3A_163 : vector<16xf32>
      %add3A_165 = arith.addf %add3A_153, %mul3A_164 : vector<16xf32>
      %mul3A_166 = arith.constant 16 : i32
      %mul3A_167 = arith.muli %scan3A_32, %mul3A_166 : i32
      %add3A_168 = arith.constant 5632 : i32
      %add3A_169 = arith.addi %add3A_168, %mul3A_167 : i32
      %get3A_170 = arith.index_cast %add3A_169 : i32 to index
      %get3A_171 = tpu.vector_load %arg8[%get3A_170] {strides = array<i32>} : memref<13312xf32, #tpu.memory_space<vmem>>, vector<16xf32>,
      %get3A_172 = vector.shape_cast %get3A_171 : vector<16xf32> to vector<16xf32>
      %get3A_173 = arith.index_cast %add3A_169 : i32 to index
      %get3A_174 = tpu.vector_load %arg9[%get3A_173] {strides = array<i32>} : memref<13312xf32, #tpu.memory_space<vmem>>, vector<16xf32>,
      %get3A_175 = vector.shape_cast %get3A_174 : vector<16xf32> to vector<16xf32>
      %mul3A_176 = arith.mulf %get3A_172, %get3A_175 : vector<16xf32>
      %add3A_177 = arith.addf %add3A_165, %mul3A_176 : vector<16xf32>
      %mul3A_178 = arith.constant 16 : i32
      %mul3A_179 = arith.muli %scan3A_32, %mul3A_178 : i32
      %add3A_180 = arith.constant 6144 : i32
      %add3A_181 = arith.addi %add3A_180, %mul3A_179 : i32
      %get3A_182 = arith.index_cast %add3A_181 : i32 to index
      %get3A_183 = tpu.vector_load %arg8[%get3A_182] {strides = array<i32>} : memref<13312xf32, #tpu.memory_space<vmem>>, vector<16xf32>,
      %get3A_184 = vector.shape_cast %get3A_183 : vector<16xf32> to vector<16xf32>
      %get3A_185 = arith.index_cast %add3A_181 : i32 to index
      %get3A_186 = tpu.vector_load %arg9[%get3A_185] {strides = array<i32>} : memref<13312xf32, #tpu.memory_space<vmem>>, vector<16xf32>,
      %get3A_187 = vector.shape_cast %get3A_186 : vector<16xf32> to vector<16xf32>
      %mul3A_188 = arith.mulf %get3A_184, %get3A_187 : vector<16xf32>
      %add3A_189 = arith.addf %add3A_177, %mul3A_188 : vector<16xf32>
      %mul3A_190 = arith.constant 16 : i32
      %mul3A_191 = arith.muli %scan3A_32, %mul3A_190 : i32
      %add3A_192 = arith.constant 6656 : i32
      %add3A_193 = arith.addi %add3A_192, %mul3A_191 : i32
      %get3A_194 = arith.index_cast %add3A_193 : i32 to index
      %get3A_195 = tpu.vector_load %arg8[%get3A_194] {strides = array<i32>} : memref<13312xf32, #tpu.memory_space<vmem>>, vector<16xf32>,
      %get3A_196 = vector.shape_cast %get3A_195 : vector<16xf32> to vector<16xf32>
      %get3A_197 = arith.index_cast %add3A_193 : i32 to index
      %get3A_198 = tpu.vector_load %arg9[%get3A_197] {strides = array<i32>} : memref<13312xf32, #tpu.memory_space<vmem>>, vector<16xf32>,
      %get3A_199 = vector.shape_cast %get3A_198 : vector<16xf32> to vector<16xf32>
      %mul3A_200 = arith.mulf %get3A_196, %get3A_199 : vector<16xf32>
      %add3A_201 = arith.addf %add3A_189, %mul3A_200 : vector<16xf32>
      %mul3A_202 = arith.constant 16 : i32
      %mul3A_203 = arith.muli %scan3A_32, %mul3A_202 : i32
      %add3A_204 = arith.constant 7168 : i32
      %add3A_205 = arith.addi %add3A_204, %mul3A_203 : i32
      %get3A_206 = arith.index_cast %add3A_205 : i32 to index
      %get3A_207 = tpu.vector_load %arg8[%get3A_206] {strides = array<i32>} : memref<13312xf32, #tpu.memory_space<vmem>>, vector<16xf32>,
      %get3A_208 = vector.shape_cast %get3A_207 : vector<16xf32> to vector<16xf32>
      %get3A_209 = arith.index_cast %add3A_205 : i32 to index
      %get3A_210 = tpu.vector_load %arg9[%get3A_209] {strides = array<i32>} : memref<13312xf32, #tpu.memory_space<vmem>>, vector<16xf32>,
      %get3A_211 = vector.shape_cast %get3A_210 : vector<16xf32> to vector<16xf32>
      %mul3A_212 = arith.mulf %get3A_208, %get3A_211 : vector<16xf32>
      %add3A_213 = arith.addf %add3A_201, %mul3A_212 : vector<16xf32>
      %mul3A_214 = arith.constant 16 : i32
      %mul3A_215 = arith.muli %scan3A_32, %mul3A_214 : i32
      %add3A_216 = arith.constant 7680 : i32
      %add3A_217 = arith.addi %add3A_216, %mul3A_215 : i32
      %get3A_218 = arith.index_cast %add3A_217 : i32 to index
      %get3A_219 = tpu.vector_load %arg8[%get3A_218] {strides = array<i32>} : memref<13312xf32, #tpu.memory_space<vmem>>, vector<16xf32>,
      %get3A_220 = vector.shape_cast %get3A_219 : vector<16xf32> to vector<16xf32>
      %get3A_221 = arith.index_cast %add3A_217 : i32 to index
      %get3A_222 = tpu.vector_load %arg9[%get3A_221] {strides = array<i32>} : memref<13312xf32, #tpu.memory_space<vmem>>, vector<16xf32>,
      %get3A_223 = vector.shape_cast %get3A_222 : vector<16xf32> to vector<16xf32>
      %mul3A_224 = arith.mulf %get3A_220, %get3A_223 : vector<16xf32>
      %add3A_225 = arith.addf %add3A_213, %mul3A_224 : vector<16xf32>
      %mul3A_226 = arith.constant 16 : i32
      %mul3A_227 = arith.muli %scan3A_32, %mul3A_226 : i32
      %add3A_228 = arith.constant 8192 : i32
      %add3A_229 = arith.addi %add3A_228, %mul3A_227 : i32
      %get3A_230 = arith.index_cast %add3A_229 : i32 to index
      %get3A_231 = tpu.vector_load %arg8[%get3A_230] {strides = array<i32>} : memref<13312xf32, #tpu.memory_space<vmem>>, vector<16xf32>,
      %get3A_232 = vector.shape_cast %get3A_231 : vector<16xf32> to vector<16xf32>
      %get3A_233 = arith.index_cast %add3A_229 : i32 to index
      %get3A_234 = tpu.vector_load %arg9[%get3A_233] {strides = array<i32>} : memref<13312xf32, #tpu.memory_space<vmem>>, vector<16xf32>,
      %get3A_235 = vector.shape_cast %get3A_234 : vector<16xf32> to vector<16xf32>
      %mul3A_236 = arith.mulf %get3A_232, %get3A_235 : vector<16xf32>
      %add3A_237 = arith.addf %add3A_225, %mul3A_236 : vector<16xf32>
      %mul3A_238 = arith.constant 16 : i32
      %mul3A_239 = arith.muli %scan3A_32, %mul3A_238 : i32
      %add3A_240 = arith.constant 8704 : i32
      %add3A_241 = arith.addi %add3A_240, %mul3A_239 : i32
      %get3A_242 = arith.index_cast %add3A_241 : i32 to index
      %get3A_243 = tpu.vector_load %arg8[%get3A_242] {strides = array<i32>} : memref<13312xf32, #tpu.memory_space<vmem>>, vector<16xf32>,
      %get3A_244 = vector.shape_cast %get3A_243 : vector<16xf32> to vector<16xf32>
      %get3A_245 = arith.index_cast %add3A_241 : i32 to index
      %get3A_246 = tpu.vector_load %arg9[%get3A_245] {strides = array<i32>} : memref<13312xf32, #tpu.memory_space<vmem>>, vector<16xf32>,
      %get3A_247 = vector.shape_cast %get3A_246 : vector<16xf32> to vector<16xf32>
      %mul3A_248 = arith.mulf %get3A_244, %get3A_247 : vector<16xf32>
      %add3A_249 = arith.addf %add3A_237, %mul3A_248 : vector<16xf32>
      %mul3A_250 = arith.constant 16 : i32
      %mul3A_251 = arith.muli %scan3A_32, %mul3A_250 : i32
      %add3A_252 = arith.constant 9216 : i32
      %add3A_253 = arith.addi %add3A_252, %mul3A_251 : i32
      %get3A_254 = arith.index_cast %add3A_253 : i32 to index
      %get3A_255 = tpu.vector_load %arg8[%get3A_254] {strides = array<i32>} : memref<13312xf32, #tpu.memory_space<vmem>>, vector<16xf32>,
      %get3A_256 = vector.shape_cast %get3A_255 : vector<16xf32> to vector<16xf32>
      %get3A_257 = arith.index_cast %add3A_253 : i32 to index
      %get3A_258 = tpu.vector_load %arg9[%get3A_257] {strides = array<i32>} : memref<13312xf32, #tpu.memory_space<vmem>>, vector<16xf32>,
      %get3A_259 = vector.shape_cast %get3A_258 : vector<16xf32> to vector<16xf32>
      %mul3A_260 = arith.mulf %get3A_256, %get3A_259 : vector<16xf32>
      %add3A_261 = arith.addf %add3A_249, %mul3A_260 : vector<16xf32>
      %mul3A_262 = arith.constant 16 : i32
      %mul3A_263 = arith.muli %scan3A_32, %mul3A_262 : i32
      %add3A_264 = arith.constant 9728 : i32
      %add3A_265 = arith.addi %add3A_264, %mul3A_263 : i32
      %get3A_266 = arith.index_cast %add3A_265 : i32 to index
      %get3A_267 = tpu.vector_load %arg8[%get3A_266] {strides = array<i32>} : memref<13312xf32, #tpu.memory_space<vmem>>, vector<16xf32>,
      %get3A_268 = vector.shape_cast %get3A_267 : vector<16xf32> to vector<16xf32>
      %get3A_269 = arith.index_cast %add3A_265 : i32 to index
      %get3A_270 = tpu.vector_load %arg9[%get3A_269] {strides = array<i32>} : memref<13312xf32, #tpu.memory_space<vmem>>, vector<16xf32>,
      %get3A_271 = vector.shape_cast %get3A_270 : vector<16xf32> to vector<16xf32>
      %mul3A_272 = arith.mulf %get3A_268, %get3A_271 : vector<16xf32>
      %add3A_273 = arith.addf %add3A_261, %mul3A_272 : vector<16xf32>
      %mul3A_274 = arith.constant 16 : i32
      %mul3A_275 = arith.muli %scan3A_32, %mul3A_274 : i32
      %add3A_276 = arith.constant 10240 : i32
      %add3A_277 = arith.addi %add3A_276, %mul3A_275 : i32
      %get3A_278 = arith.index_cast %add3A_277 : i32 to index
      %get3A_279 = tpu.vector_load %arg8[%get3A_278] {strides = array<i32>} : memref<13312xf32, #tpu.memory_space<vmem>>, vector<16xf32>,
      %get3A_280 = vector.shape_cast %get3A_279 : vector<16xf32> to vector<16xf32>
      %get3A_281 = arith.index_cast %add3A_277 : i32 to index
      %get3A_282 = tpu.vector_load %arg9[%get3A_281] {strides = array<i32>} : memref<13312xf32, #tpu.memory_space<vmem>>, vector<16xf32>,
      %get3A_283 = vector.shape_cast %get3A_282 : vector<16xf32> to vector<16xf32>
      %mul3A_284 = arith.mulf %get3A_280, %get3A_283 : vector<16xf32>
      %add3A_285 = arith.addf %add3A_273, %mul3A_284 : vector<16xf32>
      %mul3A_286 = arith.constant 16 : i32
      %mul3A_287 = arith.muli %scan3A_32, %mul3A_286 : i32
      %add3A_288 = arith.constant 10752 : i32
      %add3A_289 = arith.addi %add3A_288, %mul3A_287 : i32
      %get3A_290 = arith.index_cast %add3A_289 : i32 to index
      %get3A_291 = tpu.vector_load %arg8[%get3A_290] {strides = array<i32>} : memref<13312xf32, #tpu.memory_space<vmem>>, vector<16xf32>,
      %get3A_292 = vector.shape_cast %get3A_291 : vector<16xf32> to vector<16xf32>
      %get3A_293 = arith.index_cast %add3A_289 : i32 to index
      %get3A_294 = tpu.vector_load %arg9[%get3A_293] {strides = array<i32>} : memref<13312xf32, #tpu.memory_space<vmem>>, vector<16xf32>,
      %get3A_295 = vector.shape_cast %get3A_294 : vector<16xf32> to vector<16xf32>
      %mul3A_296 = arith.mulf %get3A_292, %get3A_295 : vector<16xf32>
      %add3A_297 = arith.addf %add3A_285, %mul3A_296 : vector<16xf32>
      %mul3A_298 = arith.constant 16 : i32
      %mul3A_299 = arith.muli %scan3A_32, %mul3A_298 : i32
      %add3A_300 = arith.constant 11264 : i32
      %add3A_301 = arith.addi %add3A_300, %mul3A_299 : i32
      %get3A_302 = arith.index_cast %add3A_301 : i32 to index
      %get3A_303 = tpu.vector_load %arg8[%get3A_302] {strides = array<i32>} : memref<13312xf32, #tpu.memory_space<vmem>>, vector<16xf32>,
      %get3A_304 = vector.shape_cast %get3A_303 : vector<16xf32> to vector<16xf32>
      %get3A_305 = arith.index_cast %add3A_301 : i32 to index
      %get3A_306 = tpu.vector_load %arg9[%get3A_305] {strides = array<i32>} : memref<13312xf32, #tpu.memory_space<vmem>>, vector<16xf32>,
      %get3A_307 = vector.shape_cast %get3A_306 : vector<16xf32> to vector<16xf32>
      %mul3A_308 = arith.mulf %get3A_304, %get3A_307 : vector<16xf32>
      %add3A_309 = arith.addf %add3A_297, %mul3A_308 : vector<16xf32>
      %mul3A_310 = arith.constant 16 : i32
      %mul3A_311 = arith.muli %scan3A_32, %mul3A_310 : i32
      %add3A_312 = arith.constant 11776 : i32
      %add3A_313 = arith.addi %add3A_312, %mul3A_311 : i32
      %get3A_314 = arith.index_cast %add3A_313 : i32 to index
      %get3A_315 = tpu.vector_load %arg8[%get3A_314] {strides = array<i32>} : memref<13312xf32, #tpu.memory_space<vmem>>, vector<16xf32>,
      %get3A_316 = vector.shape_cast %get3A_315 : vector<16xf32> to vector<16xf32>
      %get3A_317 = arith.index_cast %add3A_313 : i32 to index
      %get3A_318 = tpu.vector_load %arg9[%get3A_317] {strides = array<i32>} : memref<13312xf32, #tpu.memory_space<vmem>>, vector<16xf32>,
      %get3A_319 = vector.shape_cast %get3A_318 : vector<16xf32> to vector<16xf32>
      %mul3A_320 = arith.mulf %get3A_316, %get3A_319 : vector<16xf32>
      %add3A_321 = arith.addf %add3A_309, %mul3A_320 : vector<16xf32>
      %mul3A_322 = arith.constant 16 : i32
      %mul3A_323 = arith.muli %scan3A_32, %mul3A_322 : i32
      %add3A_324 = arith.constant 12288 : i32
      %add3A_325 = arith.addi %add3A_324, %mul3A_323 : i32
      %get3A_326 = arith.index_cast %add3A_325 : i32 to index
      %get3A_327 = tpu.vector_load %arg8[%get3A_326] {strides = array<i32>} : memref<13312xf32, #tpu.memory_space<vmem>>, vector<16xf32>,
      %get3A_328 = vector.shape_cast %get3A_327 : vector<16xf32> to vector<16xf32>
      %get3A_329 = arith.index_cast %add3A_325 : i32 to index
      %get3A_330 = tpu.vector_load %arg9[%get3A_329] {strides = array<i32>} : memref<13312xf32, #tpu.memory_space<vmem>>, vector<16xf32>,
      %get3A_331 = vector.shape_cast %get3A_330 : vector<16xf32> to vector<16xf32>
      %mul3A_332 = arith.mulf %get3A_328, %get3A_331 : vector<16xf32>
      %add3A_333 = arith.addf %add3A_321, %mul3A_332 : vector<16xf32>
      %mul3A_334 = arith.constant 16 : i32
      %mul3A_335 = arith.muli %scan3A_32, %mul3A_334 : i32
      %add3A_336 = arith.constant 12800 : i32
      %add3A_337 = arith.addi %add3A_336, %mul3A_335 : i32
      %get3A_338 = arith.index_cast %add3A_337 : i32 to index
      %get3A_339 = tpu.vector_load %arg8[%get3A_338] {strides = array<i32>} : memref<13312xf32, #tpu.memory_space<vmem>>, vector<16xf32>,
      %get3A_340 = vector.shape_cast %get3A_339 : vector<16xf32> to vector<16xf32>
      %get3A_341 = arith.index_cast %add3A_337 : i32 to index
      %get3A_342 = tpu.vector_load %arg9[%get3A_341] {strides = array<i32>} : memref<13312xf32, #tpu.memory_space<vmem>>, vector<16xf32>,
      %get3A_343 = vector.shape_cast %get3A_342 : vector<16xf32> to vector<16xf32>
      %mul3A_344 = arith.mulf %get3A_340, %get3A_343 : vector<16xf32>
      %add3A_345 = arith.addf %add3A_333, %mul3A_344 : vector<16xf32>
      %add3A_346 = arith.addf %add3A_345, %get3A_24 : vector<16xf32>
      %neg3A = arith.constant 0.000000e+00 : f32
      %neg3A_347 = vector.broadcast %neg3A : f32 to vector<16xf32>
      %neg3A_348 = arith.subf %neg3A_347, %add3A_346 : vector<16xf32>
      %exp3A = math.exp %neg3A_348 : vector<16xf32>
      %add3A_349 = arith.constant 1.000000e+00 : f32
      %add3A_350 = vector.broadcast %add3A_349 : f32 to vector<16xf32>
      %add3A_351 = arith.addf %add3A_350, %exp3A : vector<16xf32>
      %div3A = arith.constant 1.000000e+00 : f32
      %div3A_352 = vector.broadcast %div3A : f32 to vector<16xf32>
      %div3A_353 = arith.divf %div3A_352, %add3A_351 : vector<16xf32>
      %mul3A_354 = arith.constant 16 : i32
      %mul3A_355 = arith.muli %scan3A_32, %mul3A_354 : i32
      %swap3A = arith.index_cast %mul3A_355 : i32 to index
      %swap3A_356 = tpu.vector_load %arg11[%swap3A] {strides = array<i32>} : memref<512xf32, #tpu.memory_space<vmem>>, vector<16xf32>,
      %swap3A_357 = vector.shape_cast %swap3A_356 : vector<16xf32> to vector<16xf32>
      %swap3A_358 = vector.shape_cast %div3A_353 : vector<16xf32> to vector<16xf32>
      tpu.vector_store %arg11[%swap3A], %swap3A_358 {strides = array<i32>} : memref<512xf32, #tpu.memory_space<vmem>>, vector<16xf32>,
    }
    %scan3A_29 = arith.constant 32 : i32
    %mul3A_30 = arith.constant 512 : i32
    %mul3A_31 = arith.muli %add3A, %mul3A_30 : i32
    "tpu.region"() ({
      %run_scoped3A = tpu.sem_alloc : memref<!tpu.dma_semaphore, #tpu.memory_space<semaphore_mem>>
      %dma_start3A_32 = tpu.memref_slice %arg6[%mul3A_31] : memref<16384xf32, #tpu.memory_space<hbm>> -> memref<512xf32, #tpu.memory_space<hbm>>
      %dma_start3A_33 = tpu.memref_slice %arg6[%mul3A_31] : memref<16384xf32, #tpu.memory_space<hbm>> -> memref<512xf32, #tpu.memory_space<hbm>>
      tpu.enqueue_dma source(%arg11 : memref<512xf32, #tpu.memory_space<vmem>>) target(%dma_start3A_33 : memref<512xf32, #tpu.memory_space<hbm>>) target_semaphore(%run_scoped3A : memref<!tpu.dma_semaphore, #tpu.memory_space<semaphore_mem>>)
      %dma_wait3A_34 = tpu.memref_slice %arg6[%mul3A_31] : memref<16384xf32, #tpu.memory_space<hbm>> -> memref<512xf32, #tpu.memory_space<hbm>>
      %dma_wait3A_35 = tpu.memref_slice %arg6[%mul3A_31] : memref<16384xf32, #tpu.memory_space<hbm>> -> memref<512xf32, #tpu.memory_space<hbm>>
      tpu.wait_dma2 semaphore(%run_scoped3A : memref<!tpu.dma_semaphore, #tpu.memory_space<semaphore_mem>>) src(%arg11 : memref<512xf32, #tpu.memory_space<vmem>>) dst(%dma_wait3A_35 : memref<512xf32, #tpu.memory_space<hbm>>)
      tpu.yield
    }) : () -> ()
    return
  }
}

</mosaic_0001>

<sc_bundles>
// kernel: kernel.3.cloned.1.call-start
scs
__scs_entry_jumppad:
0x0: {  	(pc) =	sbr.rel $0x88, $3  }
0x1: {  	(tag) =	ssettag $0x0;
	lr =	simm.s32 $0x1  }
0x2: {  	[smem:$0x3F9D] =	sst lr;
	_ =	strace $0xD0000000  }
0x3: {  	_ = 	snop  }
0x4: {  	_ = 	snop  }
0x5: {  	_ = 	snop  }
0x6: {  	_ = 	snop  }
0x7: {  	_ = 	snop  }
__scs_overlays_trampoline_lowered:
0x8: {  	[smem:$0x3FAC] =	sst s0  }
0x9: {  	[smem:$0x3FAD] =	sst s1  }
0xa: {  	[smem:$0x3FAE] =	sst s2  }
0xb: {  	[smem:$0x3FAF] =	sst s3  }
0xc: {  	[smem:$0x3FB0] =	sst s4  }
0xd: {  	[smem:$0x3FB1] =	sst s5  }
0xe: {  	[smem:$0x3FB2] =	sst s6  }
0xf: {  	[smem:$0x3FB3] =	sst s7  }
0x10: {  	[smem:$0x3FB4] =	sst s8  }
0x11: {  	[smem:$0x3FB5] =	sst s9;
	s0 =	simm.s32 @!p0 $0x0  }
0x12: {  	s1 =	sld [smem:$0x3F9B];
	s0 =	simm.s32 @p0 $0x1  }
0x13: {  	[smem:$0x3FB6] =	sst s0;
	s0 =	simm.s32 @!p1 $0x0  }
0x14: {  	s2 =	sld [smem:$0x3F9A];
	s0 =	simm.s32 @p1 $0x1  }
0x15: {  	[smem:$0x3FB7] =	sst s0;
	s0 =	simm.s32 @!p2 $0x0  }
0x16: {  	s3 =	sld [smem:$0x3FDB];
	s0 =	simm.s32 @p2 $0x1  }
0x17: {  	s4 =	simm.s32 $0x1BF5;
	[smem:$0x3FB9] =	sst s0  }
0x18: {  	s0 =	sld [smem:$0x3F9C];
	_ =	swait.ge [sflag:s4], $0x0  }
0x19: {  	s7 =	sld [smem:$0x3F9D]  }
0x1a: {  	s8 =	sadd.s32 $0xFFFFE003, lr  }
0x1b: {  	s9 =	sadd.s32 $0xFFFFFEF7, lr;
	s5 =	simm.s32 $0xFFFFFFFF;
	p2 =	slt.u32 s8, $0xFFFFF086  }
0x1c: {  	p1 =	slt.u32 s9, $0xF7A;
	s5 =	simm.s32 @!p2 $0x0  }
0x1d: {  	s5 =	simm.s32 @p1 $0x1;
	p0 =	seq.s32 s7, s2  }
0x1e: {  	s7 =	smul.u32 @!p0 $0xF7A, s2;
	p2 =	seq.s32 @!p0 s5, $0x0  }
0x1f: {  	s9 =	smul.u32 $0xF7A, s1;
	s8 =	simm.s32 @!p0 $0x1BF5;
	p2 =	por !p2, p0  }
0x20: {  	[sflag:s8] =	ssyncset.s32 @!p0 $0xFFFFF086;
	s6 =	sadd.s32 @!p0 s3, s7;
	s7 =	simm.s32 @!p0 $0x108  }
0x21: {  	s3 =	sadd.s32 s3, s9;
	s6 =	sadd.s32 @!p0 $0x88, s6;
	s7 =	simm.s32 @p2 $0x1082  }
0x22: {  	[simem:s7], [sflag:s8] =	dma.local @!p0 [hbm:s6], $0xF7A  }
0x23: {  	s9 =	sor.u32 $0xD0000000, s2;
	s6 =	simm.s32 $0x108;
	_ =	swait.ge @!p0 [sflag:s8], $0x0  }
0x24: {  	s3 =	sadd.s32 $0x88, s3;
	s6 =	simm.s32 @!p1 $0x1082;
	[sflag:s4] =	ssyncset.s32 $0xFFFFF086  }
0x25: {  	[simem:s6], [sflag:s4] =	dma.local [hbm:s3], $0xF7A  }
0x26: {  	[smem:$0x3F9D] =	sst s1;
	(tag) =	ssettag s2;
	_ =	strace s9  }
0x27: {  	s1 =	sld [smem:$0x3FAD]  }
0x28: {  	s2 =	sld [smem:$0x3FAE]  }
0x29: {  	s4 =	sld [smem:$0x3FB0]  }
0x2a: {  	p0 =	seq.s32 s5, $0x0;
	s5 =	sld [smem:$0x3FB1]  }
0x2b: {  	s6 =	sld [smem:$0x3FB2]  }
0x2c: {  	s7 =	sld [smem:$0x3FB3]  }
0x2d: {  	s3 =	simm.s32 $0x108;
	s8 =	sld [smem:$0x3FB4]  }
0x2e: {  	s3 =	simm.s32 @!p0 $0x1082;
	s9 =	sld [smem:$0x3FB5]  }
0x2f: {  	lr =	sadd.s32 s0, s3;
	s0 =	sld [smem:$0x3FAC]  }
0x30: {  	s3 =	sld [smem:$0x3FAF]  }
0x31: {  	[smem:$0x3FB8] =	sst s10  }
0x32: {  	s10 =	sld [smem:$0x3FB6];
	_ =	sdelay $0x3  }
0x33: {  	p0 =	seq.s32 s10, $0x1;
	s10 =	sld [smem:$0x3FB8];
	_ =	sdelay $0x3  }
0x34: {  	[smem:$0x3FB8] =	sst s10  }
0x35: {  	s10 =	sld [smem:$0x3FB7];
	_ =	sdelay $0x3  }
0x36: {  	p1 =	seq.s32 s10, $0x1;
	s10 =	sld [smem:$0x3FB8];
	_ =	sdelay $0x3  }
0x37: {  	[smem:$0x3FB8] =	sst s10  }
0x38: {  	s10 =	sld [smem:$0x3FB9]  }
0x39: {  	_ = 	snop;
	(pc) =	sbr.ind lr, $3  }
0x3a: {  	_ = 	snop  }
0x3b: {  	_ = 	snop  }
0x3c: {  	p2 =	seq.s32 s10, $0x1;
	s10 =	sld [smem:$0x3FB8]  }
0x3d: {  	_ =	shalt  }
0x3e: {  	_ =	shalt  }
0x3f: {  	_ =	shalt  }
0x40: {  	_ =	shalt  }
0x41: {  	_ =	shalt  }
0x42: {  	_ =	shalt  }
0x43: {  	_ =	shalt  }
0x44: {  	_ =	shalt  }
0x45: {  	_ =	shalt  }
0x46: {  	_ =	shalt  }
0x47: {  	_ =	shalt  }
0x48: {  	_ =	shalt  }
0x49: {  	_ =	shalt  }
0x4a: {  	_ =	shalt  }
0x4b: {  	_ =	shalt  }
0x4c: {  	_ =	shalt  }
0x4d: {  	_ =	shalt  }
0x4e: {  	_ =	shalt  }
0x4f: {  	_ =	shalt  }
0x50: {  	_ =	shalt  }
0x51: {  	_ =	shalt  }
0x52: {  	_ =	shalt  }
0x53: {  	_ =	shalt  }
0x54: {  	_ =	shalt  }
0x55: {  	_ =	shalt  }
0x56: {  	_ =	shalt  }
0x57: {  	_ =	shalt  }
0x58: {  	_ =	shalt  }
0x59: {  	_ =	shalt  }
0x5a: {  	_ =	shalt  }
0x5b: {  	_ =	shalt  }
0x5c: {  	_ =	shalt  }
0x5d: {  	_ =	shalt  }
0x5e: {  	_ =	shalt  }
0x5f: {  	_ =	shalt  }
0x60: {  	_ =	shalt  }
0x61: {  	_ =	shalt  }
0x62: {  	_ =	shalt  }
0x63: {  	_ =	shalt  }
0x64: {  	_ =	shalt  }
0x65: {  	_ =	shalt  }
0x66: {  	_ =	shalt  }
0x67: {  	_ =	shalt  }
0x68: {  	_ =	shalt  }
0x69: {  	_ =	shalt  }
0x6a: {  	_ =	shalt  }
0x6b: {  	_ =	shalt  }
0x6c: {  	_ =	shalt  }
0x6d: {  	_ =	shalt  }
0x6e: {  	_ =	shalt  }
0x6f: {  	_ =	shalt  }
0x70: {  	_ =	shalt  }
0x71: {  	_ =	shalt  }
0x72: {  	_ =	shalt  }
0x73: {  	_ =	shalt  }
0x74: {  	_ =	shalt  }
0x75: {  	_ =	shalt  }
0x76: {  	_ =	shalt  }
0x77: {  	_ =	shalt  }
0x78: {  	_ =	shalt  }
0x79: {  	_ =	shalt  }
0x7a: {  	_ =	shalt  }
0x7b: {  	_ =	shalt  }
0x7c: {  	_ =	shalt  }
0x7d: {  	_ =	shalt  }
0x7e: {  	_ =	shalt  }
0x7f: {  	_ =	shalt  }
0x80: {  	_ =	shalt  }
0x81: {  	_ =	shalt  }
0x82: {  	_ =	shalt  }
0x83: {  	_ =	shalt  }
0x84: {  	_ =	shalt  }
0x85: {  	_ =	shalt  }
0x86: {  	_ =	shalt  }
0x87: {  	_ =	shalt  }
.Lfunc_end0:
.L_simem_size_0:
called_computation_lowered:
.L_overlay_start_0:
0x88: {  	s2 =	sld [smem:$0x3FD9]  }
0x89: {  	s3 =	sld [smem:$0x3FFE];
	_ =	sdelay $0x1  }
0x8a: {  	s1 =	srdreg.scid  }
0x8b: {  	s0 =	sand.u32 $0x1, s1  }
0x8c: {  	s17 =	sshll.u32 s0, $0xA;
	s2 =	sadd.s32 s3, s2  }
0x8d: {  	s2 =	sadd.s32 s2, s17  }
0x8e: {  	[smem:$0x3FC4] =	sst s2  }
0x8f: {  	_ = 	snop  }
0x90: {  	s2 =	sld [smem:$0x3FC7]  }
0x91: {  	s18 =	sld [smem:$0x3FD0];
	(tm) =	ssettm $0x1  }
0x92: {  	s4 =	sld [smem:$0x3FFB];
	_ =	sdelay $0x3  }
0x93: {  	_ =	strace s4  }
0x94: {  	s4 =	sld [smem:$0x3FFC];
	_ =	sdelay $0x3  }
0x95: {  	_ =	strace s4  }
0x96: {  	s4 =	sld [smem:$0x3FFD];
	_ =	sdelay $0x3  }
0x97: {  	_ =	strace s4  }
0x98: {  	_ =	strace $0x8FFFFFFF  }
0x99: {  	s19 =	sld [smem:$0x3FDB];
	_ =	sdelay $0x1  }
0x9a: {  	s5 =	simm.s32 $_scs_section_size  }
0x9b: {  	s6 =	simm.s32 $_size__tile_overlayer_lowered;
	s7 =	simm.s32 $_tile_overlayer_lowered  }
0x9c: {  	s22 =	simm.s32 $0x1BFF;
	s21 =	sshll.u32 s7, $0x1;
	s4 =	sadd.s32 s5, s19  }
0x9d: {  	s8 =	simm.s32 $0x0;
	s20 =	sshll.u32 s6, $0x1;
	s6 =	sadd.s32 s21, s4  }
0x9e: {  	[timem:s8], [sflag:s22] =	dma.local [hbm:s6], s20  }
0x9f: {  	_ =	swait.ge [sflag:s22], s20  }
0xa0: {  	s5 =	ssub.s32 $0x0, s20;
	[sflag:s22] =	ssyncset.done $0x0  }
0xa1: {  	[sflag:s22] =	ssyncadd.s32 s5;
	_ =	sdelay $0x1  }
0xa2: {  	s23 =	simm.s32 $0x1B8B  }
0xa3: {  	_ =	swait.ge [sflag:s23], $0x1  }
0xa4: {  	[sflag:s23] =	ssyncset.done $0x0  }
0xa5: {  	s25 =	simm.s32 $0x1B8E;
	s24 =	sld [smem:$0x3FFE];
	[sflag:s23] =	ssyncadd.s32 $0xFFFFFFFF  }
0xa6: {  	s26 =	simm.s32 $execute0_lowered;
	[smem:$0x3FD2] =	sst s25  }
0xa7: {  	s6 =	sshll.u32 s26, $0x1;
	_ =	strace $0x80000046;
	[dreg:$0x1] =	wrdreg $0xFFFFFFFF  }
0xa8: {  	s28 =	simm.s32 $_size_execute0_lowered;
	s4 =	sadd.s32 s4, s6;
	[dreg:$0x0] =	wrdreg $0x0  }
0xa9: {  	s6 =	sshll.u32 s28, $0x1;
	[dreg:$0x2] =	wrdreg s4  }
0xaa: {  	[dreg:$0x3] =	wrdreg s6  }
0xab: {  	[dreg:$0x4] =	wrdreg $0xC0  }
0xac: {  	_ =	task [dreg:s8], $0x5FFFF  }
0xad: {  	[dreg:$0x1] =	wrdreg $0xFFFFFFFF  }
0xae: {  	[dreg:$0x0] =	wrdreg $0x60  }
0xaf: {  	[dreg:$0x2] =	wrdreg s24  }
0xb0: {  	[dreg:$0x3] =	wrdreg s2  }
0xb1: {  	[dreg:$0x4] =	wrdreg s18  }
0xb2: {  	[dreg:$0x5] =	wrdreg $0x9  }
0xb3: {  	_ =	task.clear_ibuf [dreg:s8], $0x6FFFF;
	_ =	strace $0x90000046  }
0xb4: {  	s29 =	simm.s32 $0x9;
	_ =	strace $0x80000048  }
0xb5: {  	_ =	swait.ge [sflag:s29], $0x1  }
0xb6: {  	[sflag:s29] =	ssyncadd.s32 $0xFFFFFFFF  }
0xb7: {  	_ =	strace $0x90000048  }
0xb8: {  	_ =	sfence  }
0xb9: {  	s30 =	sld [smem:$0x0];
	_ =	sdelay $0x2  }
0xba: {  	s31 =	sshll.u32 s1, $0xD;
	s1 =	sshrl.u32 s1, $0x2  }
0xbb: {  	s3 =	sand.u32 $0x4000, s31;
	s1 =	sadd.s32 s1, s30  }
0xbc: {  	s0 =	sor.u32 s3, s0;
	s1 =	sshll.u32 s1, $0x11  }
0xbd: {  	s0 =	sor.u32 s1, s0  }
0xbe: {  	s0 =	sadd.s32 $0x8F2B, s0  }
0xbf: {  	[sflag:s0] =	ssyncadd.remote.s32 $0x1  }
0xc0: {  	_ =	sfence.sel $0xFFFF  }
0xc1: {  	[dreg:$0x0] =	wrdreg $0xFFFFFFFF;
	(pc) =	sbr.abs _section_cstart, $3  }
0xc2: {  	[dreg:$0x1] =	wrdreg $0xFFFFFFFF  }
0xc3: {  	_ =	task.clear_ibuf [dreg:s8], $0x2FFFF;
	_ =	strace $0x9FFFFFFF  }
0xc4: {  	(tm) =	ssettm $0x7FFFFFFF  }
0xc5: {  	_ =	shalt  }
tec
execute0_lowered:
.L_overlay_start_1:
0x0: {  	(tag) =	ssettag $0x1  }
0x1: {  	s4 =	rddreg [dreg:$0x0]  }
0x2: {  	s1 =	srdreg.scid;
	s2 =	rddreg [dreg:$0x1]  }
0x3: {  	s0 =	stileid.u32;
	s8 =	rddreg [dreg:$0x2]  }
0x4: {  	s3 =	simm.s32 $0x0;
	s10 =	simm.s32 $0x400;
	s11 =	simm.s32 $0x3  }
0x5: {  	s12 =	simm.s32 $0x3400;
	s13 =	simm.s32 $0x6800;
	s14 =	simm.s32 $0x9C00  }
0x6: {  	s15 =	simm.s32 $0x2;
	s16 =	simm.s32 $0x1;
	s17 =	simm.s32 $0x9C80  }
0x7: {  	s18 =	simm.s32 $0x0;
	s5 =	sand.u32 $0x1, s1;
	s29 =	sshll.u32 s0, $0x1  }
0x8: {  	s30 =	sshrl.u32 s0, $0x2;
	s1 =	rddreg [dreg:$0x3];
	s7 =	sor.u32 s5, s29  }
0x9: {  	[smem:$0x7FF] =	sst s3;
	s6 =	smul.u32 $0x1A000, s30;
	s9 =	sshll.u32 s7, $0x7  }
0xa: {  	s5 =	ssub.s32 $0x2, s5;
	_ =	strace $0x80000047;
	s9 =	sand.u32 $0x380, s9  }
0xb: {  	s31 =	sshrl.u32 s5, $0x1;
	s7 =	sshll.u32 s7, $0x6;
	s6 =	sor.u32 s6, s9  }
0xc: {  	s7 =	sadd.s32 s8, s7;
	s9 =	ssub.s32 s5, s31;
	s6 =	sshrl.u32 s6, $0x3  }
0xd: {  	s8 =	smax.u32 s9, $0x1;
	s9 =	simm.s32 $0x80;
	s6 =	sadd.s32 s6, s4  }
0xe: {  	s4 =	sadd.s32 $0x1A600, s4;
	s5 =	sadd.s32 $0x600, s6;
	s6 =	sadd.s32 $0xD600, s6  }
.LBB2_1:
0xf: {  	[tilespmem:s3], [sflag:$0x3] =	stream.strided.gather [hbm4b:s5+s9], $0x3400, s10, s9, $0x38;
	[tilespmem:$0x9E80] =	vst v63  }
0x10: {  	_ =	swait.ge [sflag:s11], $0x3400  }
0x11: {  	[sflag:s11] =	ssyncset.done $0x0  }
0x12: {  	[sflag:s11] =	ssyncadd.s32 $0xFFFFCC00  }
0x13: {  	[tilespmem:s12], [sflag:$0x1] =	stream.indirect.gather [hbm4b:s2+s12], $0x1, s3, s12, $0xb8;
	[tilespmem:$0x9E80] =	vst v63  }
0x14: {  	_ = 	snop  }
0x15: {  	[tilespmem:s13], [sflag:$0x2] =	stream.strided.gather [hbm4b:s6+s9], $0x3400, s10, s9, $0x38;
	[tilespmem:$0x9E80] =	vst v63  }
0x16: {  	_ = 	snop  }
0x17: {  	[tilespmem:s14], [sflag:$0x3] =	stream.linear.gather [hbm4b:s4+s3], $0x80, $0x38;
	[tilespmem:$0x9E80] =	vst v63  }
0x18: {  	_ =	swait.ge [sflag:s11], $0x80  }
0x19: {  	[sflag:s11] =	ssyncset.done $0x0  }
0x1a: {  	[sflag:s11] =	ssyncadd.s32 $0xFFFFFF80  }
0x1b: {  	_ =	swait.ge [sflag:s15], $0x3400  }
0x1c: {  	[sflag:s15] =	ssyncset.done $0x0  }
0x1d: {  	[sflag:s15] =	ssyncadd.s32 $0xFFFFCC00  }
0x1e: {  	_ =	swait.ge [sflag:s16], $0x3400  }
0x1f: {  	[sflag:s16] =	ssyncset.done $0x0  }
0x20: {  	[sflag:s16] =	ssyncadd.s32 $0xFFFFCC00  }
0x21: {  	s19 =	simm.s32 $0x0;
	v0 =	vld [tilespmem:$0x9C00]  }
0x22: {  	v1 =	vld [tilespmem:s19+$0x3400]  }
0x23: {  	v2 =	vld [tilespmem:s19+$0x6800]  }
0x24: {  	v3 =	vld [tilespmem:s19+$0x3600]  }
0x25: {  	v4 =	vld [tilespmem:s19+$0x6A00]  }
0x26: {  	v5 =	vld [tilespmem:s19+$0x3800]  }
0x27: {  	v6 =	vld [tilespmem:s19+$0x6C00]  }
0x28: {  	v7 =	vld [tilespmem:s19+$0x6E00];
	v1 =	vmul.f32 v2, v1  }
0x29: {  	v2 =	vld [tilespmem:s19+$0x3A00]  }
0x2a: {  	v8 =	vld [tilespmem:s19+$0x7000];
	v3 =	vmul.f32 v4, v3;
	v1 =	vadd.f32 $0.0e+00, v1  }
0x2b: {  	v4 =	vld [tilespmem:s19+$0x3C00]  }
0x2c: {  	v1 =	vadd.f32 v3, v1;
	v3 =	vmul.f32 v6, v5;
	v5 =	vld [tilespmem:s19+$0x3E00]  }
0x2d: {  	v6 =	vld [tilespmem:s19+$0x7200]  }
0x2e: {  	v2 =	vmul.f32 v7, v2;
	v7 =	vld [tilespmem:s19+$0x7400];
	v1 =	vadd.f32 v3, v1  }
0x2f: {  	v3 =	vld [tilespmem:s19+$0x4000]  }
0x30: {  	v1 =	vadd.f32 v2, v1;
	v2 =	vmul.f32 v8, v4;
	v4 =	vld [tilespmem:s19+$0x4200]  }
0x31: {  	v8 =	vld [tilespmem:s19+$0x7600]  }
0x32: {  	v1 =	vadd.f32 v2, v1;
	v2 =	vmul.f32 v6, v5;
	v5 =	vld [tilespmem:s19+$0x4400]  }
0x33: {  	v6 =	vld [tilespmem:s19+$0x7800]  }
0x34: {  	v1 =	vadd.f32 v2, v1;
	v2 =	vmul.f32 v7, v3;
	v3 =	vld [tilespmem:s19+$0x4600]  }
0x35: {  	v7 =	vld [tilespmem:s19+$0x7A00]  }
0x36: {  	v1 =	vadd.f32 v2, v1;
	v2 =	vmul.f32 v8, v4;
	v4 =	vld [tilespmem:s19+$0x4800]  }
0x37: {  	v8 =	vld [tilespmem:s19+$0x7C00]  }
0x38: {  	v1 =	vadd.f32 v2, v1;
	v2 =	vmul.f32 v6, v5;
	v5 =	vld [tilespmem:s19+$0x4A00]  }
0x39: {  	v6 =	vld [tilespmem:s19+$0x7E00]  }
0x3a: {  	v1 =	vadd.f32 v2, v1;
	v2 =	vmul.f32 v7, v3;
	v3 =	vld [tilespmem:s19+$0x4C00]  }
0x3b: {  	v7 =	vld [tilespmem:s19+$0x8000]  }
0x3c: {  	v1 =	vadd.f32 v2, v1;
	v2 =	vmul.f32 v8, v4;
	v4 =	vld [tilespmem:s19+$0x4E00]  }
0x3d: {  	v8 =	vld [tilespmem:s19+$0x8200]  }
0x3e: {  	v1 =	vadd.f32 v2, v1;
	v2 =	vmul.f32 v6, v5;
	v5 =	vld [tilespmem:s19+$0x5000]  }
0x3f: {  	v6 =	vld [tilespmem:s19+$0x8400]  }
0x40: {  	v1 =	vadd.f32 v2, v1;
	v2 =	vmul.f32 v7, v3;
	v3 =	vld [tilespmem:s19+$0x5200]  }
0x41: {  	v7 =	vld [tilespmem:s19+$0x8600]  }
0x42: {  	v1 =	vadd.f32 v2, v1;
	v2 =	vmul.f32 v8, v4;
	v4 =	vld [tilespmem:s19+$0x5400]  }
0x43: {  	v8 =	vld [tilespmem:s19+$0x8800]  }
0x44: {  	v1 =	vadd.f32 v2, v1;
	v2 =	vmul.f32 v6, v5;
	v5 =	vld [tilespmem:s19+$0x5600]  }
0x45: {  	v6 =	vld [tilespmem:s19+$0x8A00]  }
0x46: {  	v1 =	vadd.f32 v2, v1;
	v2 =	vmul.f32 v7, v3;
	v3 =	vld [tilespmem:s19+$0x5800]  }
0x47: {  	v7 =	vld [tilespmem:s19+$0x8C00]  }
0x48: {  	v1 =	vadd.f32 v2, v1;
	v2 =	vmul.f32 v8, v4;
	v4 =	vld [tilespmem:s19+$0x5A00]  }
0x49: {  	v8 =	vld [tilespmem:s19+$0x8E00]  }
0x4a: {  	v1 =	vadd.f32 v2, v1;
	v2 =	vmul.f32 v6, v5;
	v5 =	vld [tilespmem:s19+$0x5C00]  }
0x4b: {  	v6 =	vld [tilespmem:s19+$0x9000]  }
0x4c: {  	v1 =	vadd.f32 v2, v1;
	v2 =	vmul.f32 v7, v3;
	v3 =	vld [tilespmem:s19+$0x5E00]  }
0x4d: {  	v7 =	vld [tilespmem:s19+$0x9200]  }
0x4e: {  	v9 =	vld [tilespmem:s19+$0x9400];
	v1 =	vadd.f32 v2, v1;
	v2 =	vmul.f32 v8, v4  }
0x4f: {  	v8 =	vld [tilespmem:s19+$0x6000]  }
0x50: {  	v10 =	vld [tilespmem:s19+$0x6200];
	v1 =	vadd.f32 v2, v1;
	v2 =	vmul.f32 v6, v5  }
0x51: {  	v11 =	vld [tilespmem:s19+$0x9600]  }
0x52: {  	v4 =	vld [tilespmem:s19+$0x9800];
	v3 =	vmul.f32 v7, v3;
	v2 =	vadd.f32 v2, v1  }
0x53: {  	v1 =	vld [tilespmem:s19+$0x6400]  }
0x54: {  	v5 =	vld [tilespmem:s19+$0x9A00];
	v7 =	vmul.f32 v9, v8;
	v6 =	vadd.f32 v3, v2  }
0x55: {  	s20 =	simm.s32 $0x10;
	v2 =	vld [tilespmem:s19+$0x6600]  }
0x56: {  	s21 =	simm.s32 $0x80;
	v3 =	vld [tilespmem:s20+$0x3400];
	v6 =	vadd.f32 v7, v6;
	v7 =	vmul.f32 v11, v10  }
.LBB2_2:
0x57: {  	p0 =	sne.s32 s21, $0x7C0;
	v8 =	vld [tilespmem:s20+$0x6800]  }
0x58: {  	v9 =	vld [tilespmem:s20+$0x3600];
	v6 =	vadd.f32 v7, v6;
	v1 =	vmul.f32 v4, v1  }
0x59: {  	v4 =	vld [tilespmem:s20+$0x6A00]  }
0x5a: {  	v7 =	vld [tilespmem:s20+$0x3800];
	v1 =	vadd.f32 v1, v6;
	v2 =	vmul.f32 v5, v2  }
0x5b: {  	v5 =	vld [tilespmem:s20+$0x6C00]  }
0x5c: {  	v3 =	vmul.f32 v8, v3;
	v6 =	vld [tilespmem:s20+$0x3A00];
	v1 =	vadd.f32 v2, v1  }
0x5d: {  	v2 =	vld [tilespmem:s20+$0x6E00]  }
0x5e: {  	v3 =	vadd.f32 $0.0e+00, v3;
	v4 =	vmul.f32 v4, v9;
	v8 =	vld [tilespmem:s20+$0x3C00];
	v1 =	vadd.f32 v1, v0  }
0x5f: {  	v9 =	vld [tilespmem:s20+$0x7000]  }
0x60: {  	v3 =	vadd.f32 v4, v3;
	v4 =	vmul.f32 v5, v7;
	v5 =	vld [tilespmem:s20+$0x3E00];
	v1 =	vsub.f32 $0.0e+00, v1  }
0x61: {  	v7 =	vld [tilespmem:s20+$0x7200]  }
0x62: {  	v3 =	vadd.f32 v4, v3;
	v2 =	vmul.f32 v2, v6;
	v4 =	vld [tilespmem:s20+$0x4000];
	v1 =	vmul.f32 $1.442695020e+00, v1  }
0x63: {  	v6 =	vld [tilespmem:s20+$0x7400]  }
0x64: {  	v2 =	vadd.f32 v2, v3;
	v3 =	vmul.f32 v9, v8;
	v8 =	vld [tilespmem:s20+$0x4200];
	(erf) = vpow2.f32 v1  }
0x65: {  	v1 =	vld [tilespmem:s20+$0x7600]  }
0x66: {  	v2 =	vadd.f32 v3, v2;
	v3 =	vmul.f32 v7, v5;
	v5 =	vld [tilespmem:s20+$0x4400]  }
0x67: {  	v7 =	vld [tilespmem:s20+$0x7800]  }
0x68: {  	v2 =	vadd.f32 v3, v2;
	v3 =	vmul.f32 v6, v4;
	v4 =	vld [tilespmem:s20+$0x4600]  }
0x69: {  	v6 =	vld [tilespmem:s20+$0x7A00]  }
0x6a: {  	v2 =	vadd.f32 v3, v2;
	v1 =	vmul.f32 v1, v8;
	v3 =	vld [tilespmem:s20+$0x4800]  }
0x6b: {  	v8 =	vld [tilespmem:s20+$0x7C00]  }
0x6c: {  	v1 =	vadd.f32 v1, v2;
	v2 =	vmul.f32 v7, v5;
	v5 =	vld [tilespmem:s20+$0x4A00]  }
0x6d: {  	v7 =	vld [tilespmem:s20+$0x7E00];
	v9 =	vpop (erf)  }
0x6e: {  	v1 =	vadd.f32 v2, v1;
	v2 =	vmul.f32 v6, v4;
	v4 =	vld [tilespmem:s20+$0x4C00];
	v6 =	vadd.f32 $1.000000000e+00, v9  }
0x6f: {  	v9 =	vld [tilespmem:s20+$0x8000]  }
0x70: {  	v1 =	vadd.f32 v2, v1;
	v2 =	vmul.f32 v8, v3;
	v3 =	vld [tilespmem:s20+$0x4E00];
	(erf) = vrcp.f32 v6  }
0x71: {  	v6 =	vld [tilespmem:s20+$0x8200]  }
0x72: {  	v1 =	vadd.f32 v2, v1;
	v2 =	vmul.f32 v7, v5;
	v5 =	vld [tilespmem:s20+$0x5000]  }
0x73: {  	v7 =	vld [tilespmem:s20+$0x8400]  }
0x74: {  	v1 =	vadd.f32 v2, v1;
	v2 =	vmul.f32 v9, v4;
	v4 =	vld [tilespmem:s20+$0x5200]  }
0x75: {  	v8 =	vld [tilespmem:s20+$0x8600]  }
0x76: {  	v1 =	vadd.f32 v2, v1;
	v2 =	vmul.f32 v6, v3;
	v3 =	vld [tilespmem:s20+$0x5400]  }
0x77: {  	v6 =	vld [tilespmem:s20+$0x8800]  }
0x78: {  	v1 =	vadd.f32 v2, v1;
	v2 =	vmul.f32 v7, v5;
	v5 =	vld [tilespmem:s20+$0x5600]  }
0x79: {  	v7 =	vld [tilespmem:s20+$0x8A00];
	v9 =	vpop (erf)  }
0x7a: {  	v1 =	vadd.f32 v2, v1;
	v2 =	vmul.f32 v8, v4;
	v4 =	vld [tilespmem:s20+$0x5800];
	[tilespmem:s19+$0x9C80] =	vst v9;
	s19 =	smov.u32 s20  }
0x7b: {  	v8 =	vld [tilespmem:s19+$0x8C00]  }
0x7c: {  	v1 =	vadd.f32 v2, v1;
	v2 =	vmul.f32 v6, v3;
	v3 =	vld [tilespmem:s19+$0x5A00]  }
0x7d: {  	v6 =	vld [tilespmem:s19+$0x8E00]  }
0x7e: {  	v1 =	vadd.f32 v2, v1;
	v2 =	vmul.f32 v7, v5;
	v5 =	vld [tilespmem:s19+$0x5C00]  }
0x7f: {  	v7 =	vld [tilespmem:s19+$0x9000]  }
0x80: {  	v1 =	vadd.f32 v2, v1;
	v2 =	vmul.f32 v8, v4;
	v4 =	vld [tilespmem:s19+$0x5E00]  }
0x81: {  	v8 =	vld [tilespmem:s19+$0x9200]  }
0x82: {  	v1 =	vadd.f32 v2, v1;
	v2 =	vmul.f32 v6, v3;
	v3 =	vld [tilespmem:s19+$0x6000]  }
0x83: {  	v6 =	vld [tilespmem:s19+$0x9400]  }
0x84: {  	v1 =	vadd.f32 v2, v1;
	v2 =	vmul.f32 v7, v5;
	v7 =	vld [tilespmem:s19+$0x6200]  }
0x85: {  	v9 =	vld [tilespmem:s19+$0x9600]  }
.Ltmp0:
0x86: {  	v2 =	vadd.f32 v2, v1;
	v5 =	vmul.f32 v8, v4;
	v1 =	vld [tilespmem:s19+$0x6400];
	(pc) =	sbr.rel @p0 .LBB2_2-.Ltmp0, $4  }
0x87: {  	v4 =	vld [tilespmem:s19+$0x9800]  }
0x88: {  	v8 =	vadd.f32 v5, v2;
	v6 =	vmul.f32 v6, v3;
	v2 =	vld [tilespmem:s19+$0x6600]  }
0x89: {  	s20 =	sshra.s32 s21, $0x2;
	v5 =	vld [tilespmem:s19+$0x9A00]  }
0x8a: {  	s21 =	sadd.s32 $0x40, s21;
	v3 =	vld [tilespmem:s20+$0x3400];
	v6 =	vadd.f32 v6, v8;
	v7 =	vmul.f32 v9, v7  }
0x8b: {  	v8 =	vld [tilespmem:s20+$0x6800]  }
0x8c: {  	v9 =	vld [tilespmem:s20+$0x3600];
	v6 =	vadd.f32 v7, v6;
	v1 =	vmul.f32 v4, v1  }
0x8d: {  	v43 =	vld [tilespmem:s20+$0x6A00]  }
0x8e: {  	v44 =	vld [tilespmem:s20+$0x3800];
	v1 =	vadd.f32 v1, v6;
	v2 =	vmul.f32 v5, v2  }
0x8f: {  	v45 =	vld [tilespmem:s20+$0x6C00]  }
0x90: {  	v46 =	vld [tilespmem:s20+$0x3A00];
	v3 =	vmul.f32 v8, v3;
	v1 =	vadd.f32 v2, v1  }
0x91: {  	v47 =	vld [tilespmem:s20+$0x6E00]  }
0x92: {  	v48 =	vld [tilespmem:s20+$0x3C00];
	v4 =	vmul.f32 v43, v9;
	v3 =	vadd.f32 $0.0e+00, v3;
	v1 =	vadd.f32 v1, v0  }
0x93: {  	v49 =	vld [tilespmem:s20+$0x7000]  }
0x94: {  	v10 =	vld [tilespmem:s20+$0x3E00];
	v50 =	vmul.f32 v45, v44;
	v3 =	vadd.f32 v4, v3;
	v1 =	vsub.f32 $0.0e+00, v1  }
0x95: {  	v51 =	vld [tilespmem:s20+$0x7200]  }
0x96: {  	v52 =	vld [tilespmem:s20+$0x4000];
	v2 =	vmul.f32 v47, v46;
	v3 =	vadd.f32 v50, v3;
	v1 =	vmul.f32 $1.442695020e+00, v1  }
0x97: {  	v53 =	vld [tilespmem:s20+$0x7400]  }
0x98: {  	v54 =	vld [tilespmem:s20+$0x4200];
	v55 =	vmul.f32 v49, v48;
	v2 =	vadd.f32 v2, v3;
	(erf) = vpow2.f32 v1  }
0x99: {  	v56 =	vld [tilespmem:s20+$0x7600]  }
0x9a: {  	v57 =	vld [tilespmem:s20+$0x4400];
	v58 =	vmul.f32 v51, v10;
	v2 =	vadd.f32 v55, v2  }
0x9b: {  	v59 =	vld [tilespmem:s20+$0x7800]  }
0x9c: {  	v60 =	vld [tilespmem:s20+$0x4600];
	v61 =	vmul.f32 v53, v52;
	v2 =	vadd.f32 v58, v2  }
0x9d: {  	v62 =	vld [tilespmem:s20+$0x7A00]  }
0x9e: {  	v63 =	vld [tilespmem:s20+$0x4800];
	v1 =	vmul.f32 v56, v54;
	v2 =	vadd.f32 v61, v2  }
0x9f: {  	v12 =	vld [tilespmem:s20+$0x7C00]  }
0xa0: {  	v13 =	vld [tilespmem:s20+$0x4A00];
	v14 =	vmul.f32 v59, v57;
	v1 =	vadd.f32 v1, v2  }
0xa1: {  	v15 =	vld [tilespmem:s20+$0x7E00];
	v16 =	vpop (erf)  }
0xa2: {  	v17 =	vld [tilespmem:s20+$0x4C00];
	v18 =	vmul.f32 v62, v60;
	v1 =	vadd.f32 v14, v1;
	v19 =	vadd.f32 $1.000000000e+00, v16  }
0xa3: {  	v20 =	vld [tilespmem:s20+$0x8000]  }
0xa4: {  	v21 =	vld [tilespmem:s20+$0x4E00];
	v22 =	vmul.f32 v12, v63;
	v1 =	vadd.f32 v18, v1;
	(erf) = vrcp.f32 v19  }
0xa5: {  	v23 =	vld [tilespmem:s20+$0x8200]  }
0xa6: {  	v24 =	vld [tilespmem:s20+$0x5000];
	v25 =	vmul.f32 v15, v13;
	v1 =	vadd.f32 v22, v1  }
0xa7: {  	v26 =	vld [tilespmem:s20+$0x8400]  }
0xa8: {  	v27 =	vld [tilespmem:s20+$0x5200];
	v28 =	vmul.f32 v20, v17;
	v1 =	vadd.f32 v25, v1  }
0xa9: {  	v29 =	vld [tilespmem:s20+$0x8600]  }
0xaa: {  	v30 =	vld [tilespmem:s20+$0x5400];
	v31 =	vmul.f32 v23, v21;
	v1 =	vadd.f32 v28, v1  }
0xab: {  	v32 =	vld [tilespmem:s20+$0x8800]  }
0xac: {  	v33 =	vld [tilespmem:s20+$0x5600];
	v34 =	vmul.f32 v26, v24;
	v1 =	vadd.f32 v31, v1  }
0xad: {  	v35 =	vld [tilespmem:s20+$0x8A00];
	v36 =	vpop (erf)  }
0xae: {  	v37 =	vld [tilespmem:s20+$0x5800];
	v38 =	vmul.f32 v29, v27;
	v1 =	vadd.f32 v34, v1;
	[tilespmem:s19+$0x9C80] =	vst v36  }
0xaf: {  	v5 =	vld [tilespmem:s20+$0x8C00]  }
0xb0: {  	v39 =	vmul.f32 v32, v30;
	v40 =	vld [tilespmem:s20+$0x5A00];
	v1 =	vadd.f32 v38, v1  }
0xb1: {  	v41 =	vld [tilespmem:s20+$0x8E00]  }
0xb2: {  	v42 =	vmul.f32 v35, v33;
	v43 =	vld [tilespmem:s20+$0x5C00];
	v1 =	vadd.f32 v39, v1  }
0xb3: {  	v44 =	vld [tilespmem:s20+$0x9000]  }
0xb4: {  	v46 =	vld [tilespmem:s20+$0x5E00];
	v1 =	vadd.f32 v42, v1;
	v45 =	vmul.f32 v5, v37  }
0xb5: {  	v47 =	vld [tilespmem:s20+$0x9200]  }
0xb6: {  	v49 =	vld [tilespmem:s20+$0x6000];
	v48 =	vmul.f32 v41, v40;
	v1 =	vadd.f32 v45, v1  }
0xb7: {  	v50 =	vld [tilespmem:s20+$0x9400]  }
0xb8: {  	v52 =	vld [tilespmem:s20+$0x6200];
	v51 =	vmul.f32 v44, v43;
	v1 =	vadd.f32 v48, v1  }
0xb9: {  	v53 =	vld [tilespmem:s20+$0x9600]  }
0xba: {  	v55 =	vld [tilespmem:s20+$0x6400];
	v54 =	vmul.f32 v47, v46;
	v1 =	vadd.f32 v51, v1  }
0xbb: {  	v56 =	vld [tilespmem:s20+$0x9800]  }
0xbc: {  	v58 =	vld [tilespmem:s20+$0x6600];
	v57 =	vmul.f32 v50, v49;
	v1 =	vadd.f32 v54, v1  }
0xbd: {  	v59 =	vld [tilespmem:s20+$0x9A00]  }
0xbe: {  	v60 =	vmul.f32 v53, v52;
	v1 =	vadd.f32 v57, v1;
	_ =	sdelay $0x1  }
0xbf: {  	v61 =	vmul.f32 v56, v55;
	v1 =	vadd.f32 v60, v1;
	_ =	sdelay $0x1  }
0xc0: {  	v62 =	vmul.f32 v59, v58;
	v1 =	vadd.f32 v61, v1;
	_ =	sdelay $0x1  }
0xc1: {  	v1 =	vadd.f32 v62, v1;
	_ =	sdelay $0x1  }
0xc2: {  	v63 =	vadd.f32 v1, v0;
	_ =	sdelay $0x1  }
0xc3: {  	v0 =	vsub.f32 $0.0e+00, v63;
	_ =	sdelay $0x1  }
0xc4: {  	v0 =	vmul.f32 $1.442695020e+00, v0;
	_ =	sdelay $0x1  }
0xc5: {  	(erf) = vpow2.f32 v0;
	_ =	sdelay $0x8  }
0xc6: {  	v0 =	vpop (erf)  }
0xc7: {  	v0 =	vadd.f32 $1.000000000e+00, v0;
	_ =	sdelay $0x1  }
0xc8: {  	(erf) = vrcp.f32 v0;
	_ =	sdelay $0x7  }
0xc9: {  	s18 =	sadd.s32 $0x1, s18  }
0xca: {  	p0 =	sne.s32 s18, s8;
	v0 =	vpop (erf)  }
.Ltmp1:
0xcb: {  	[tilespmem:s20+$0x9C80] =	vst v0;
	(pc) =	sbr.rel @p0 .LBB2_1-.Ltmp1, $4  }
0xcc: {  	[hbm4b:s7+s3] =	stream.linear.scatter [tilespmem:s17], [sflag:$0x3], $0x200, $0x38;
	[tilespmem:$0x9E80] =	vst v63  }
0xcd: {  	_ =	swait.ge [sflag:s11], $0x200  }
0xce: {  	[sflag:s11] =	ssyncset.done $0x0  }
0xcf: {  	[sflag:s11] =	ssyncadd.s32 $0xFFFFFE00  }
0xd0: {  	_ =	sfence.sel $0x180000  }
0xd1: {  	[bflag:$0x0] =	sbarrier.arrive $0xFFFF  }
0xd2: {  	p0 =	sne.s32 s0, $0x0;
	_ =	strace $0x90000047  }
0xd3: {  	s0 =	sadd.s32 @!p0 $0x100000, s1;
	[bflag:$0x2] =	sbarrier.arrive $0xFFFF  }
0xd4: {  	[sflag:s0] =	ssyncadd.tile.s32 @!p0 $0x1;
	_ =	shalt  }
.Lfunc_end2:
_tile_overlayer_lowered:
.L_overlay_start_2:
0xd5: {  	(tag) =	ssettag $0x2  }
0xd6: {  	s0 =	rddreg [dreg:$0x0];
	s2 =	stileid.u32  }
0xd7: {  	s1 =	rddreg [dreg:$0x1];
	p0 =	sne.s32 s2, $0x0  }
0xd8: {  	s3 =	rddreg [dreg:$0x2];
	[bflag:$0x3] =	sbarrier.arrive $0xFFFF;
	s2 =	simm.s32 @!p0 $0x1C03  }
0xd9: {  	[timem:s3], [sflag:s2] =	dma.local @!p0 [hbm:s0], s1  }
0xda: {  	s0 =	simm.s32 @!p0 $0x3  }
0xdb: {  	_ =	swait.ge @!p0 [sflag:s0], s1  }
0xdc: {  	s1 =	ssub.s32 @!p0 $0x0, s1;
	[sflag:s0] =	ssyncset.done @!p0 $0x0  }
0xdd: {  	[sflag:s0] =	ssyncadd.s32 @!p0 s1  }
0xde: {  	[bflag:$0x3] =	sbarrier.arrive $0xFFFF  }
0xdf: {  	_ =	shalt  }

</sc_bundles>
